<compile_context>
chip_gen: v7x
topology: tpu7x:2x2x1
jax: 0.10.2.dev20260603
libtpu: 0.0.44.dev20260713+nightly
codegen_flags: <defaults>
</compile_context>

<pallas_src>
import jax
import jax.numpy as jnp
from jax.experimental import pallas as pl
from jax.experimental.pallas import tpu as pltpu

EDGES = 131072
LANES = 128
ROWS = EDGES // LANES
BLK_ROWS = 128


def _edge_math(sp, tp, c, bas, scale):
    t0, t1, t2, x1, y1, z1, w1 = sp
    u0, u1, u2, x2, y2, z2, w2 = tp
    r, th, ph = c

    inv1 = 1.0 / jnp.maximum(jnp.sqrt(x1 * x1 + y1 * y1 + z1 * z1 + w1 * w1), 1e-12)
    x1, y1, z1, w1 = x1 * inv1, y1 * inv1, z1 * inv1, w1 * inv1
    inv2 = 1.0 / jnp.maximum(jnp.sqrt(x2 * x2 + y2 * y2 + z2 * z2 + w2 * w2), 1e-12)
    x2, y2, z2, w2 = x2 * inv2, y2 * inv2, z2 * inv2, w2 * inv2

    cph = jnp.cos(ph)
    px = r * cph * jnp.cos(th)
    py = r * cph * jnp.sin(th)
    pz = r * jnp.sin(ph)

    tx = 2.0 * (y1 * pz - z1 * py)
    ty = 2.0 * (z1 * px - x1 * pz)
    tz = 2.0 * (x1 * py - y1 * px)
    gx = px + w1 * tx + (y1 * tz - z1 * ty) + t0
    gy = py + w1 * ty + (z1 * tx - x1 * tz) + t1
    gz = pz + w1 * tz + (x1 * ty - y1 * tx) + t2

    dx, dy, dz = gx - u0, gy - u1, gz - u2
    tx = -2.0 * (y2 * dz - z2 * dy)
    ty = -2.0 * (z2 * dx - x2 * dz)
    tz = -2.0 * (x2 * dy - y2 * dx)
    lx = dx + w2 * tx - (y2 * tz - z2 * ty)
    ly = dy + w2 * ty - (z2 * tx - x2 * tz)
    lz = dz + w2 * tz - (x2 * ty - y2 * tx)

    r2 = jnp.sqrt(lx * lx + ly * ly + lz * lz)
    th2 = jnp.arctan2(ly, lx)

    b0, b1 = bas
    s0, s1 = scale
    return (r2 - b0) * s0, (th2 - b1) * s1


def _tc_body(g_ref, bas_ref, scale_ref, out_ref):
    sp = tuple(g_ref[i] for i in range(7))
    tp = tuple(g_ref[7 + i] for i in range(7))
    c = tuple(g_ref[14 + i] for i in range(3))
    bas = (bas_ref[0], bas_ref[1])
    s0 = scale_ref[0, 0]
    s1 = scale_ref[0, 1]
    ex, ey = _edge_math(sp, tp, c, bas, (s0, s1))
    out_ref[0] = ex
    out_ref[1] = ey


def _tc_math(g, bas, scale):
    n_blk = ROWS // BLK_ROWS
    return pl.pallas_call(
        _tc_body,
        grid=(n_blk,),
        in_specs=[
            pl.BlockSpec((17, BLK_ROWS, LANES), lambda i: (0, i, 0)),
            pl.BlockSpec((2, BLK_ROWS, LANES), lambda i: (0, i, 0)),
            pl.BlockSpec(memory_space=pltpu.SMEM),
        ],
        out_specs=pl.BlockSpec((2, BLK_ROWS, LANES), lambda i: (0, i, 0)),
        out_shape=jax.ShapeDtypeStruct((2, ROWS, LANES), jnp.float32),
    )(g, bas, scale)


def kernel(poses, patch_coords_r_theta, elevation_angle, coords_baseline,
           fls2physic_scale_factor, source_frame_idx, target_frame_idx, patch_idx):
    sp = poses[0, source_frame_idx, :]
    tp = poses[0, target_frame_idx, :]
    pc = patch_coords_r_theta[0, patch_idx, :]
    el = elevation_angle[0, patch_idx, :]
    g = jnp.concatenate([sp, tp, pc, el], axis=-1)
    g = g.T.reshape(17, ROWS, LANES)

    bas = coords_baseline[0].T.reshape(2, ROWS, LANES)
    scale = fls2physic_scale_factor.reshape(1, 2)

    out = _tc_math(g, bas, scale)
    return out.reshape(2, EDGES).T.reshape(1, 2 * EDGES)

# --- scband reference (transcript-rebuilt; emitter-appended) ---
"""Pipeline reference for scband-bundle-adjustment-32581621907773 (READ-ONLY COPY).

The authoritative reference and input builder live on the scoring server;
editing this copy changes nothing except your own understanding.
"""

import jax, jax.numpy as jnp
import numpy as np

POSES_N = 512
EDGES = 131072

def _quat_normalize(q):
    return q / jnp.maximum(jnp.linalg.norm(q, axis=-1, keepdims=True), 1e-12)

def _quat_rotate(q, p):
    qv = q[..., :3]
    w = q[..., 3:4]
    t = 2.0 * jnp.cross(qv, p)
    return p + w * t + jnp.cross(qv, t)

def _se3_act(pose, p):
    return _quat_rotate(pose[..., 3:], p) + pose[..., :3]

def _se3_inv_act(pose, p):
    q = pose[..., 3:]
    qc = jnp.concatenate([-q[..., :3], q[..., 3:4]], axis=-1)
    return _quat_rotate(qc, p - pose[..., :3])

def _polar2cart(c):
    r = c[..., 0]; th = c[..., 1]; ph = c[..., 2]
    cp = jnp.cos(ph)
    return jnp.stack([r * cp * jnp.cos(th), r * cp * jnp.sin(th), r * jnp.sin(ph)], axis=-1)

def _cart2polar(p):
    r = jnp.sqrt(jnp.sum(p * p, axis=-1))
    th = jnp.arctan2(p[..., 1], p[..., 0])
    ph = jnp.arcsin(jnp.clip(p[..., 2] / jnp.maximum(r, 1e-8), -1.0, 1.0))
    return jnp.stack([r, th, ph], axis=-1)

def _transform(source_poses, target_poses, coords):
    sp = source_poses[0]; tp = target_poses[0]; c = coords[0]
    local_src = _polar2cart(c)
    glob = _se3_act(sp, local_src)
    local_tgt = _se3_inv_act(tp, glob)
    return _cart2polar(local_tgt)[None]

def setup_inputs(seed: int = 0):
    key = jax.random.key(seed)
    ks = jax.random.split(key, 8)
    poses = jax.random.normal(ks[0], (1, POSES_N, 7), dtype=jnp.float32)
    r = jax.random.uniform(ks[1], (1, EDGES, 1), dtype=jnp.float32) * 40.0 + 1.0
    theta = (jax.random.uniform(ks[2], (1, EDGES, 1), dtype=jnp.float32) - 0.5) * 1.0472
    patch_coords_r_theta = jnp.concatenate([r, theta], axis=-1)
    elevation_angle = (jax.random.uniform(ks[3], (1, EDGES, 1), dtype=jnp.float32) - 0.5) * 0.24
    source_frame_idx = jax.random.randint(ks[4], (EDGES,), 0, POSES_N)
    target_frame_idx = jax.random.randint(ks[5], (EDGES,), 0, POSES_N)
    patch_idx = jax.random.randint(ks[6], (EDGES,), 0, EDGES)
    fls2physic_scale_factor = jnp.array([[[512.0 / 49.0, 512.0 / 1.0472]]], dtype=jnp.float32)
    posesn = jnp.concatenate([poses[..., :3], _quat_normalize(poses[..., 3:])], axis=-1)
    sp = posesn[:, source_frame_idx, :]
    tp = posesn[:, target_frame_idx, :]
    sc = jnp.concatenate([patch_coords_r_theta[:, patch_idx, :], elevation_angle[:, patch_idx, :]], axis=-1)
    proj0 = _transform(sp, tp, sc)
    delta = 0.5
    coords_baseline = proj0[:, :, :2] + delta / fls2physic_scale_factor[0]
    return {"poses": poses, "patch_coords_r_theta": patch_coords_r_theta, "elevation_angle": elevation_angle, "coords_baseline": coords_baseline, "fls2physic_scale_factor": fls2physic_scale_factor, "source_frame_idx": source_frame_idx, "target_frame_idx": target_frame_idx, "patch_idx": patch_idx}

def reference(poses, patch_coords_r_theta, elevation_angle, coords_baseline, fls2physic_scale_factor, source_frame_idx, target_frame_idx, patch_idx):
    posesn = jnp.concatenate([poses[..., :3], _quat_normalize(poses[..., 3:])], axis=-1)
    patch_coords = patch_coords_r_theta[:, patch_idx, :]
    elev = elevation_angle[:, patch_idx, :]
    source_coords = jnp.concatenate([patch_coords, elev], axis=-1)
    sp = posesn[:, source_frame_idx, :]
    tp = posesn[:, target_frame_idx, :]
    projected = _transform(sp, tp, source_coords)
    project_err = (projected[:, :, :2] - coords_baseline) * fls2physic_scale_factor
    return project_err.reshape(1, -1)

if __name__ == "__main__":
    import jax
    _d = setup_inputs()
    print(jax.jit(kernel)(*tuple(_d.values())))

</pallas_src>

<mosaic_0001>
module attributes {stable_mosaic.version = 14 : i64} {
  func.func @_tc_body(%arg0: i32, %arg1: memref<17x128x128xf32, #tpu.memory_space<vmem>>, %arg2: memref<2x128x128xf32, #tpu.memory_space<vmem>>, %arg3: memref<1x2xf32, #tpu.memory_space<smem>>, %arg4: memref<2x128x128xf32, #tpu.memory_space<vmem>>) attributes {dimension_semantics = [#tpu.dimension_semantics<arbitrary>], iteration_bounds = array<i64: 8>, scalar_prefetch = 0 : i64, scratch_operands = 0 : i64, tpu.core_type = #tpu.core_type<tc>, window_params = [{transform_indices = @transform_0, window_bounds = array<i64: 17, 128, 128>}, {transform_indices = @transform_1, window_bounds = array<i64: 2, 128, 128>}, {transform_indices = @transform_2, window_bounds = array<i64: 1, 2>}, {transform_indices = @transform_3, window_bounds = array<i64: 2, 128, 128>}]} {
    %get3A = arith.constant 0 : index
    %get3A_0 = arith.constant 0 : index
    %get3A_1 = arith.constant 0 : index
    %get3A_2 = vector.load %arg1[%get3A, %get3A_0, %get3A_1] : memref<17x128x128xf32, #tpu.memory_space<vmem>>, vector<1x128x128xf32>
    %get3A_3 = vector.shape_cast %get3A_2 : vector<1x128x128xf32> to vector<128x128xf32>
    %get3A_4 = arith.constant 1 : index
    %get3A_5 = arith.constant 0 : index
    %get3A_6 = arith.constant 0 : index
    %get3A_7 = vector.load %arg1[%get3A_4, %get3A_5, %get3A_6] : memref<17x128x128xf32, #tpu.memory_space<vmem>>, vector<1x128x128xf32>
    %get3A_8 = vector.shape_cast %get3A_7 : vector<1x128x128xf32> to vector<128x128xf32>
    %get3A_9 = arith.constant 2 : index
    %get3A_10 = arith.constant 0 : index
    %get3A_11 = arith.constant 0 : index
    %get3A_12 = vector.load %arg1[%get3A_9, %get3A_10, %get3A_11] : memref<17x128x128xf32, #tpu.memory_space<vmem>>, vector<1x128x128xf32>
    %get3A_13 = vector.shape_cast %get3A_12 : vector<1x128x128xf32> to vector<128x128xf32>
    %get3A_14 = arith.constant 3 : index
    %get3A_15 = arith.constant 0 : index
    %get3A_16 = arith.constant 0 : index
    %get3A_17 = vector.load %arg1[%get3A_14, %get3A_15, %get3A_16] : memref<17x128x128xf32, #tpu.memory_space<vmem>>, vector<1x128x128xf32>
    %get3A_18 = vector.shape_cast %get3A_17 : vector<1x128x128xf32> to vector<128x128xf32>
    %get3A_19 = arith.constant 4 : index
    %get3A_20 = arith.constant 0 : index
    %get3A_21 = arith.constant 0 : index
    %get3A_22 = vector.load %arg1[%get3A_19, %get3A_20, %get3A_21] : memref<17x128x128xf32, #tpu.memory_space<vmem>>, vector<1x128x128xf32>
    %get3A_23 = vector.shape_cast %get3A_22 : vector<1x128x128xf32> to vector<128x128xf32>
    %get3A_24 = arith.constant 5 : index
    %get3A_25 = arith.constant 0 : index
    %get3A_26 = arith.constant 0 : index
    %get3A_27 = vector.load %arg1[%get3A_24, %get3A_25, %get3A_26] : memref<17x128x128xf32, #tpu.memory_space<vmem>>, vector<1x128x128xf32>
    %get3A_28 = vector.shape_cast %get3A_27 : vector<1x128x128xf32> to vector<128x128xf32>
    %get3A_29 = arith.constant 6 : index
    %get3A_30 = arith.constant 0 : index
    %get3A_31 = arith.constant 0 : index
    %get3A_32 = vector.load %arg1[%get3A_29, %get3A_30, %get3A_31] : memref<17x128x128xf32, #tpu.memory_space<vmem>>, vector<1x128x128xf32>
    %get3A_33 = vector.shape_cast %get3A_32 : vector<1x128x128xf32> to vector<128x128xf32>
    %get3A_34 = arith.constant 7 : index
    %get3A_35 = arith.constant 0 : index
    %get3A_36 = arith.constant 0 : index
    %get3A_37 = vector.load %arg1[%get3A_34, %get3A_35, %get3A_36] : memref<17x128x128xf32, #tpu.memory_space<vmem>>, vector<1x128x128xf32>
    %get3A_38 = vector.shape_cast %get3A_37 : vector<1x128x128xf32> to vector<128x128xf32>
    %get3A_39 = arith.constant 8 : index
    %get3A_40 = arith.constant 0 : index
    %get3A_41 = arith.constant 0 : index
    %get3A_42 = vector.load %arg1[%get3A_39, %get3A_40, %get3A_41] : memref<17x128x128xf32, #tpu.memory_space<vmem>>, vector<1x128x128xf32>
    %get3A_43 = vector.shape_cast %get3A_42 : vector<1x128x128xf32> to vector<128x128xf32>
    %get3A_44 = arith.constant 9 : index
    %get3A_45 = arith.constant 0 : index
    %get3A_46 = arith.constant 0 : index
    %get3A_47 = vector.load %arg1[%get3A_44, %get3A_45, %get3A_46] : memref<17x128x128xf32, #tpu.memory_space<vmem>>, vector<1x128x128xf32>
    %get3A_48 = vector.shape_cast %get3A_47 : vector<1x128x128xf32> to vector<128x128xf32>
    %get3A_49 = arith.constant 10 : index
    %get3A_50 = arith.constant 0 : index
    %get3A_51 = arith.constant 0 : index
    %get3A_52 = vector.load %arg1[%get3A_49, %get3A_50, %get3A_51] : memref<17x128x128xf32, #tpu.memory_space<vmem>>, vector<1x128x128xf32>
    %get3A_53 = vector.shape_cast %get3A_52 : vector<1x128x128xf32> to vector<128x128xf32>
    %get3A_54 = arith.constant 11 : index
    %get3A_55 = arith.constant 0 : index
    %get3A_56 = arith.constant 0 : index
    %get3A_57 = vector.load %arg1[%get3A_54, %get3A_55, %get3A_56] : memref<17x128x128xf32, #tpu.memory_space<vmem>>, vector<1x128x128xf32>
    %get3A_58 = vector.shape_cast %get3A_57 : vector<1x128x128xf32> to vector<128x128xf32>
    %get3A_59 = arith.constant 12 : index
    %get3A_60 = arith.constant 0 : index
    %get3A_61 = arith.constant 0 : index
    %get3A_62 = vector.load %arg1[%get3A_59, %get3A_60, %get3A_61] : memref<17x128x128xf32, #tpu.memory_space<vmem>>, vector<1x128x128xf32>
    %get3A_63 = vector.shape_cast %get3A_62 : vector<1x128x128xf32> to vector<128x128xf32>
    %get3A_64 = arith.constant 13 : index
    %get3A_65 = arith.constant 0 : index
    %get3A_66 = arith.constant 0 : index
    %get3A_67 = vector.load %arg1[%get3A_64, %get3A_65, %get3A_66] : memref<17x128x128xf32, #tpu.memory_space<vmem>>, vector<1x128x128xf32>
    %get3A_68 = vector.shape_cast %get3A_67 : vector<1x128x128xf32> to vector<128x128xf32>
    %get3A_69 = arith.constant 14 : index
    %get3A_70 = arith.constant 0 : index
    %get3A_71 = arith.constant 0 : index
    %get3A_72 = vector.load %arg1[%get3A_69, %get3A_70, %get3A_71] : memref<17x128x128xf32, #tpu.memory_space<vmem>>, vector<1x128x128xf32>
    %get3A_73 = vector.shape_cast %get3A_72 : vector<1x128x128xf32> to vector<128x128xf32>
    %get3A_74 = arith.constant 15 : index
    %get3A_75 = arith.constant 0 : index
    %get3A_76 = arith.constant 0 : index
    %get3A_77 = vector.load %arg1[%get3A_74, %get3A_75, %get3A_76] : memref<17x128x128xf32, #tpu.memory_space<vmem>>, vector<1x128x128xf32>
    %get3A_78 = vector.shape_cast %get3A_77 : vector<1x128x128xf32> to vector<128x128xf32>
    %get3A_79 = arith.constant 16 : index
    %get3A_80 = arith.constant 0 : index
    %get3A_81 = arith.constant 0 : index
    %get3A_82 = vector.load %arg1[%get3A_79, %get3A_80, %get3A_81] : memref<17x128x128xf32, #tpu.memory_space<vmem>>, vector<1x128x128xf32>
    %get3A_83 = vector.shape_cast %get3A_82 : vector<1x128x128xf32> to vector<128x128xf32>
    %get3A_84 = arith.constant 0 : index
    %get3A_85 = arith.constant 0 : index
    %get3A_86 = arith.constant 0 : index
    %get3A_87 = vector.load %arg2[%get3A_84, %get3A_85, %get3A_86] : memref<2x128x128xf32, #tpu.memory_space<vmem>>, vector<1x128x128xf32>
    %get3A_88 = vector.shape_cast %get3A_87 : vector<1x128x128xf32> to vector<128x128xf32>
    %get3A_89 = arith.constant 1 : index
    %get3A_90 = arith.constant 0 : index
    %get3A_91 = arith.constant 0 : index
    %get3A_92 = vector.load %arg2[%get3A_89, %get3A_90, %get3A_91] : memref<2x128x128xf32, #tpu.memory_space<vmem>>, vector<1x128x128xf32>
    %get3A_93 = vector.shape_cast %get3A_92 : vector<1x128x128xf32> to vector<128x128xf32>
    %get3A_94 = arith.constant 0 : index
    %get3A_95 = arith.constant 0 : index
    %get3A_96 = memref.load %arg3[%get3A_94, %get3A_95] : memref<1x2xf32, #tpu.memory_space<smem>>
    %get3A_97 = arith.constant 0 : index
    %get3A_98 = arith.constant 1 : index
    %get3A_99 = memref.load %arg3[%get3A_97, %get3A_98] : memref<1x2xf32, #tpu.memory_space<smem>>
    %mul3A = arith.mulf %get3A_18, %get3A_18 : vector<128x128xf32>
    %mul3A_100 = arith.mulf %get3A_23, %get3A_23 : vector<128x128xf32>
    %add3A = arith.addf %mul3A, %mul3A_100 : vector<128x128xf32>
    %mul3A_101 = arith.mulf %get3A_28, %get3A_28 : vector<128x128xf32>
    %add3A_102 = arith.addf %add3A, %mul3A_101 : vector<128x128xf32>
    %mul3A_103 = arith.mulf %get3A_33, %get3A_33 : vector<128x128xf32>
    %add3A_104 = arith.addf %add3A_102, %mul3A_103 : vector<128x128xf32>
    %sqrt3A = math.sqrt %add3A_104 : vector<128x128xf32>
    %max3A = arith.constant 9.99999996E-13 : f32
    %max3A_105 = vector.broadcast %max3A : f32 to vector<128x128xf32>
    %max3A_106 = arith.maximumf %sqrt3A, %max3A_105 : vector<128x128xf32>
    %div3A = arith.constant 1.000000e+00 : f32
    %div3A_107 = vector.broadcast %div3A : f32 to vector<128x128xf32>
    %div3A_108 = arith.divf %div3A_107, %max3A_106 : vector<128x128xf32>
    %mul3A_109 = arith.mulf %get3A_18, %div3A_108 : vector<128x128xf32>
    %mul3A_110 = arith.mulf %get3A_23, %div3A_108 : vector<128x128xf32>
    %mul3A_111 = arith.mulf %get3A_28, %div3A_108 : vector<128x128xf32>
    %mul3A_112 = arith.mulf %get3A_33, %div3A_108 : vector<128x128xf32>
    %mul3A_113 = arith.mulf %get3A_53, %get3A_53 : vector<128x128xf32>
    %mul3A_114 = arith.mulf %get3A_58, %get3A_58 : vector<128x128xf32>
    %add3A_115 = arith.addf %mul3A_113, %mul3A_114 : vector<128x128xf32>
    %mul3A_116 = arith.mulf %get3A_63, %get3A_63 : vector<128x128xf32>
    %add3A_117 = arith.addf %add3A_115, %mul3A_116 : vector<128x128xf32>
    %mul3A_118 = arith.mulf %get3A_68, %get3A_68 : vector<128x128xf32>
    %add3A_119 = arith.addf %add3A_117, %mul3A_118 : vector<128x128xf32>
    %sqrt3A_120 = math.sqrt %add3A_119 : vector<128x128xf32>
    %max3A_121 = arith.constant 9.99999996E-13 : f32
    %max3A_122 = vector.broadcast %max3A_121 : f32 to vector<128x128xf32>
    %max3A_123 = arith.maximumf %sqrt3A_120, %max3A_122 : vector<128x128xf32>
    %div3A_124 = arith.constant 1.000000e+00 : f32
    %div3A_125 = vector.broadcast %div3A_124 : f32 to vector<128x128xf32>
    %div3A_126 = arith.divf %div3A_125, %max3A_123 : vector<128x128xf32>
    %mul3A_127 = arith.mulf %get3A_53, %div3A_126 : vector<128x128xf32>
    %mul3A_128 = arith.mulf %get3A_58, %div3A_126 : vector<128x128xf32>
    %mul3A_129 = arith.mulf %get3A_63, %div3A_126 : vector<128x128xf32>
    %mul3A_130 = arith.mulf %get3A_68, %div3A_126 : vector<128x128xf32>
    %cos3A = math.cos %get3A_83 : vector<128x128xf32>
    %mul3A_131 = arith.mulf %get3A_73, %cos3A : vector<128x128xf32>
    %cos3A_132 = math.cos %get3A_78 : vector<128x128xf32>
    %mul3A_133 = arith.mulf %mul3A_131, %cos3A_132 : vector<128x128xf32>
    %mul3A_134 = arith.mulf %get3A_73, %cos3A : vector<128x128xf32>
    %sin3A = math.sin %get3A_78 : vector<128x128xf32>
    %mul3A_135 = arith.mulf %mul3A_134, %sin3A : vector<128x128xf32>
    %sin3A_136 = math.sin %get3A_83 : vector<128x128xf32>
    %mul3A_137 = arith.mulf %get3A_73, %sin3A_136 : vector<128x128xf32>
    %mul3A_138 = arith.mulf %mul3A_110, %mul3A_137 : vector<128x128xf32>
    %mul3A_139 = arith.mulf %mul3A_111, %mul3A_135 : vector<128x128xf32>
    %sub3A = arith.subf %mul3A_138, %mul3A_139 : vector<128x128xf32>
    %mul3A_140 = arith.constant 2.000000e+00 : f32
    %mul3A_141 = vector.broadcast %mul3A_140 : f32 to vector<128x128xf32>
    %mul3A_142 = arith.mulf %mul3A_141, %sub3A : vector<128x128xf32>
    %mul3A_143 = arith.mulf %mul3A_111, %mul3A_133 : vector<128x128xf32>
    %mul3A_144 = arith.mulf %mul3A_109, %mul3A_137 : vector<128x128xf32>
    %sub3A_145 = arith.subf %mul3A_143, %mul3A_144 : vector<128x128xf32>
    %mul3A_146 = arith.constant 2.000000e+00 : f32
    %mul3A_147 = vector.broadcast %mul3A_146 : f32 to vector<128x128xf32>
    %mul3A_148 = arith.mulf %mul3A_147, %sub3A_145 : vector<128x128xf32>
    %mul3A_149 = arith.mulf %mul3A_109, %mul3A_135 : vector<128x128xf32>
    %mul3A_150 = arith.mulf %mul3A_110, %mul3A_133 : vector<128x128xf32>
    %sub3A_151 = arith.subf %mul3A_149, %mul3A_150 : vector<128x128xf32>
    %mul3A_152 = arith.constant 2.000000e+00 : f32
    %mul3A_153 = vector.broadcast %mul3A_152 : f32 to vector<128x128xf32>
    %mul3A_154 = arith.mulf %mul3A_153, %sub3A_151 : vector<128x128xf32>
    %mul3A_155 = arith.mulf %mul3A_112, %mul3A_142 : vector<128x128xf32>
    %add3A_156 = arith.addf %mul3A_133, %mul3A_155 : vector<128x128xf32>
    %mul3A_157 = arith.mulf %mul3A_110, %mul3A_154 : vector<128x128xf32>
    %mul3A_158 = arith.mulf %mul3A_111, %mul3A_148 : vector<128x128xf32>
    %sub3A_159 = arith.subf %mul3A_157, %mul3A_158 : vector<128x128xf32>
    %add3A_160 = arith.addf %add3A_156, %sub3A_159 : vector<128x128xf32>
    %add3A_161 = arith.addf %add3A_160, %get3A_3 : vector<128x128xf32>
    %mul3A_162 = arith.mulf %mul3A_112, %mul3A_148 : vector<128x128xf32>
    %add3A_163 = arith.addf %mul3A_135, %mul3A_162 : vector<128x128xf32>
    %mul3A_164 = arith.mulf %mul3A_111, %mul3A_142 : vector<128x128xf32>
    %mul3A_165 = arith.mulf %mul3A_109, %mul3A_154 : vector<128x128xf32>
    %sub3A_166 = arith.subf %mul3A_164, %mul3A_165 : vector<128x128xf32>
    %add3A_167 = arith.addf %add3A_163, %sub3A_166 : vector<128x128xf32>
    %add3A_168 = arith.addf %add3A_167, %get3A_8 : vector<128x128xf32>
    %mul3A_169 = arith.mulf %mul3A_112, %mul3A_154 : vector<128x128xf32>
    %add3A_170 = arith.addf %mul3A_137, %mul3A_169 : vector<128x128xf32>
    %mul3A_171 = arith.mulf %mul3A_109, %mul3A_148 : vector<128x128xf32>
    %mul3A_172 = arith.mulf %mul3A_110, %mul3A_142 : vector<128x128xf32>
    %sub3A_173 = arith.subf %mul3A_171, %mul3A_172 : vector<128x128xf32>
    %add3A_174 = arith.addf %add3A_170, %sub3A_173 : vector<128x128xf32>
    %add3A_175 = arith.addf %add3A_174, %get3A_13 : vector<128x128xf32>
    %sub3A_176 = arith.subf %add3A_161, %get3A_38 : vector<128x128xf32>
    %sub3A_177 = arith.subf %add3A_168, %get3A_43 : vector<128x128xf32>
    %sub3A_178 = arith.subf %add3A_175, %get3A_48 : vector<128x128xf32>
    %mul3A_179 = arith.mulf %mul3A_128, %sub3A_178 : vector<128x128xf32>
    %mul3A_180 = arith.mulf %mul3A_129, %sub3A_177 : vector<128x128xf32>
    %sub3A_181 = arith.subf %mul3A_179, %mul3A_180 : vector<128x128xf32>
    %mul3A_182 = arith.constant -2.000000e+00 : f32
    %mul3A_183 = vector.broadcast %mul3A_182 : f32 to vector<128x128xf32>
    %mul3A_184 = arith.mulf %mul3A_183, %sub3A_181 : vector<128x128xf32>
    %mul3A_185 = arith.mulf %mul3A_129, %sub3A_176 : vector<128x128xf32>
    %mul3A_186 = arith.mulf %mul3A_127, %sub3A_178 : vector<128x128xf32>
    %sub3A_187 = arith.subf %mul3A_185, %mul3A_186 : vector<128x128xf32>
    %mul3A_188 = arith.constant -2.000000e+00 : f32
    %mul3A_189 = vector.broadcast %mul3A_188 : f32 to vector<128x128xf32>
    %mul3A_190 = arith.mulf %mul3A_189, %sub3A_187 : vector<128x128xf32>
    %mul3A_191 = arith.mulf %mul3A_127, %sub3A_177 : vector<128x128xf32>
    %mul3A_192 = arith.mulf %mul3A_128, %sub3A_176 : vector<128x128xf32>
    %sub3A_193 = arith.subf %mul3A_191, %mul3A_192 : vector<128x128xf32>
    %mul3A_194 = arith.constant -2.000000e+00 : f32
    %mul3A_195 = vector.broadcast %mul3A_194 : f32 to vector<128x128xf32>
    %mul3A_196 = arith.mulf %mul3A_195, %sub3A_193 : vector<128x128xf32>
    %mul3A_197 = arith.mulf %mul3A_130, %mul3A_184 : vector<128x128xf32>
    %add3A_198 = arith.addf %sub3A_176, %mul3A_197 : vector<128x128xf32>
    %mul3A_199 = arith.mulf %mul3A_128, %mul3A_196 : vector<128x128xf32>
    %mul3A_200 = arith.mulf %mul3A_129, %mul3A_190 : vector<128x128xf32>
    %sub3A_201 = arith.subf %mul3A_199, %mul3A_200 : vector<128x128xf32>
    %sub3A_202 = arith.subf %add3A_198, %sub3A_201 : vector<128x128xf32>
    %mul3A_203 = arith.mulf %mul3A_130, %mul3A_190 : vector<128x128xf32>
    %add3A_204 = arith.addf %sub3A_177, %mul3A_203 : vector<128x128xf32>
    %mul3A_205 = arith.mulf %mul3A_129, %mul3A_184 : vector<128x128xf32>
    %mul3A_206 = arith.mulf %mul3A_127, %mul3A_196 : vector<128x128xf32>
    %sub3A_207 = arith.subf %mul3A_205, %mul3A_206 : vector<128x128xf32>
    %sub3A_208 = arith.subf %add3A_204, %sub3A_207 : vector<128x128xf32>
    %mul3A_209 = arith.mulf %mul3A_130, %mul3A_196 : vector<128x128xf32>
    %add3A_210 = arith.addf %sub3A_178, %mul3A_209 : vector<128x128xf32>
    %mul3A_211 = arith.mulf %mul3A_127, %mul3A_190 : vector<128x128xf32>
    %mul3A_212 = arith.mulf %mul3A_128, %mul3A_184 : vector<128x128xf32>
    %sub3A_213 = arith.subf %mul3A_211, %mul3A_212 : vector<128x128xf32>
    %sub3A_214 = arith.subf %add3A_210, %sub3A_213 : vector<128x128xf32>
    %mul3A_215 = arith.mulf %sub3A_202, %sub3A_202 : vector<128x128xf32>
    %mul3A_216 = arith.mulf %sub3A_208, %sub3A_208 : vector<128x128xf32>
    %add3A_217 = arith.addf %mul3A_215, %mul3A_216 : vector<128x128xf32>
    %mul3A_218 = arith.mulf %sub3A_214, %sub3A_214 : vector<128x128xf32>
    %add3A_219 = arith.addf %add3A_217, %mul3A_218 : vector<128x128xf32>
    %sqrt3A_220 = math.sqrt %add3A_219 : vector<128x128xf32>
    %atan23A = math.atan2 %sub3A_208, %sub3A_202 : vector<128x128xf32>
    %sub3A_221 = arith.subf %sqrt3A_220, %get3A_88 : vector<128x128xf32>
    %mul3A_222 = vector.broadcast %get3A_96 : f32 to vector<128x128xf32>
    %mul3A_223 = arith.mulf %sub3A_221, %mul3A_222 : vector<128x128xf32>
    %sub3A_224 = arith.subf %atan23A, %get3A_93 : vector<128x128xf32>
    %mul3A_225 = vector.broadcast %get3A_99 : f32 to vector<128x128xf32>
    %mul3A_226 = arith.mulf %sub3A_224, %mul3A_225 : vector<128x128xf32>
    %swap3A = arith.constant 0 : index
    %swap3A_227 = arith.constant 0 : index
    %swap3A_228 = arith.constant 0 : index
    %swap3A_229 = vector.load %arg4[%swap3A, %swap3A_227, %swap3A_228] : memref<2x128x128xf32, #tpu.memory_space<vmem>>, vector<1x128x128xf32>
    %swap3A_230 = vector.shape_cast %swap3A_229 : vector<1x128x128xf32> to vector<128x128xf32>
    %swap3A_231 = vector.shape_cast %mul3A_223 : vector<128x128xf32> to vector<1x128x128xf32>
    tpu.vector_store %arg4[%swap3A, %swap3A_227, %swap3A_228], %swap3A_231 {strides = array<i32>} : memref<2x128x128xf32, #tpu.memory_space<vmem>>, vector<1x128x128xf32>,
    %swap3A_232 = arith.constant 1 : index
    %swap3A_233 = arith.constant 0 : index
    %swap3A_234 = arith.constant 0 : index
    %swap3A_235 = vector.load %arg4[%swap3A_232, %swap3A_233, %swap3A_234] : memref<2x128x128xf32, #tpu.memory_space<vmem>>, vector<1x128x128xf32>
    %swap3A_236 = vector.shape_cast %swap3A_235 : vector<1x128x128xf32> to vector<128x128xf32>
    %swap3A_237 = vector.shape_cast %mul3A_226 : vector<128x128xf32> to vector<1x128x128xf32>
    tpu.vector_store %arg4[%swap3A_232, %swap3A_233, %swap3A_234], %swap3A_237 {strides = array<i32>} : memref<2x128x128xf32, #tpu.memory_space<vmem>>, vector<1x128x128xf32>,
    return
  }
  func.func @transform_0(%arg0: i32) -> (i32, i32, i32) {
    %c0_i32 = arith.constant 0 : i32
    %c0_i32_0 = arith.constant 0 : i32
    %c0_i32_1 = arith.constant 0 : i32
    return %c0_i32, %arg0, %c0_i32_0 : i32, i32, i32
  }
  func.func @transform_1(%arg0: i32) -> (i32, i32, i32) {
    %c0_i32 = arith.constant 0 : i32
    %c0_i32_0 = arith.constant 0 : i32
    %c0_i32_1 = arith.constant 0 : i32
    return %c0_i32, %arg0, %c0_i32_0 : i32, i32, i32
  }
  func.func @transform_2(%arg0: i32) -> (i32, i32) {
    %c0_i32 = arith.constant 0 : i32
    %c0_i32_0 = arith.constant 0 : i32
    %c0_i32_1 = arith.constant 0 : i32
    return %c0_i32, %c0_i32_0 : i32, i32
  }
  func.func @transform_3(%arg0: i32) -> (i32, i32, i32) {
    %c0_i32 = arith.constant 0 : i32
    %c0_i32_0 = arith.constant 0 : i32
    %c0_i32_1 = arith.constant 0 : i32
    return %c0_i32, %arg0, %c0_i32_0 : i32, i32, i32
  }
}

</mosaic_0001>

<sc_bundles>
// kernel: gather_offload_async_start.1
scs
__scs_entry_jumppad:
0x0: {  	(pc) =	sbr.rel $0x88, $3  }
0x1: {  	(tag) =	ssettag $0x0;
	lr =	simm.s32 $0x1  }
0x2: {  	[smem:$0x3F99] =	sst lr;
	_ =	strace $0xD0000000  }
0x3: {  	_ = 	snop  }
0x4: {  	_ = 	snop  }
0x5: {  	_ = 	snop  }
0x6: {  	_ = 	snop  }
0x7: {  	_ = 	snop  }
__scs_overlays_trampoline_lowered:
0x8: {  	[smem:$0x3FA8] =	sst s0  }
0x9: {  	[smem:$0x3FA9] =	sst s1  }
0xa: {  	[smem:$0x3FAA] =	sst s2  }
0xb: {  	[smem:$0x3FAB] =	sst s3  }
0xc: {  	[smem:$0x3FAC] =	sst s4  }
0xd: {  	[smem:$0x3FAD] =	sst s5  }
0xe: {  	[smem:$0x3FAE] =	sst s6  }
0xf: {  	[smem:$0x3FAF] =	sst s7  }
0x10: {  	[smem:$0x3FB0] =	sst s8  }
0x11: {  	[smem:$0x3FB1] =	sst s9;
	s0 =	simm.s32 @!p0 $0x0  }
0x12: {  	s1 =	sld [smem:$0x3F97];
	s0 =	simm.s32 @p0 $0x1  }
0x13: {  	[smem:$0x3FB2] =	sst s0;
	s0 =	simm.s32 @!p1 $0x0  }
0x14: {  	s2 =	sld [smem:$0x3F96];
	s0 =	simm.s32 @p1 $0x1  }
0x15: {  	[smem:$0x3FB3] =	sst s0;
	s0 =	simm.s32 @!p2 $0x0  }
0x16: {  	s3 =	sld [smem:$0x3FDB];
	s0 =	simm.s32 @p2 $0x1  }
0x17: {  	s4 =	simm.s32 $0x1BF5;
	[smem:$0x3FB5] =	sst s0  }
0x18: {  	s0 =	sld [smem:$0x3F98];
	_ =	swait.ge [sflag:s4], $0x0  }
0x19: {  	s7 =	sld [smem:$0x3F99]  }
0x1a: {  	s8 =	sadd.s32 $0xFFFFE003, lr  }
0x1b: {  	s9 =	sadd.s32 $0xFFFFFEF7, lr;
	s5 =	simm.s32 $0xFFFFFFFF;
	p2 =	slt.u32 s8, $0xFFFFF086  }
0x1c: {  	p1 =	slt.u32 s9, $0xF7A;
	s5 =	simm.s32 @!p2 $0x0  }
0x1d: {  	s5 =	simm.s32 @p1 $0x1;
	p0 =	seq.s32 s7, s2  }
0x1e: {  	s7 =	smul.u32 @!p0 $0xF7A, s2;
	p2 =	seq.s32 @!p0 s5, $0x0  }
0x1f: {  	s9 =	smul.u32 $0xF7A, s1;
	s8 =	simm.s32 @!p0 $0x1BF5;
	p2 =	por !p2, p0  }
0x20: {  	[sflag:s8] =	ssyncset.s32 @!p0 $0xFFFFF086;
	s6 =	sadd.s32 @!p0 s3, s7;
	s7 =	simm.s32 @!p0 $0x108  }
0x21: {  	s3 =	sadd.s32 s3, s9;
	s6 =	sadd.s32 @!p0 $0x88, s6;
	s7 =	simm.s32 @p2 $0x1082  }
0x22: {  	[simem:s7], [sflag:s8] =	dma.local @!p0 [hbm:s6], $0xF7A  }
0x23: {  	s9 =	sor.u32 $0xD0000000, s2;
	s6 =	simm.s32 $0x108;
	_ =	swait.ge @!p0 [sflag:s8], $0x0  }
0x24: {  	s3 =	sadd.s32 $0x88, s3;
	s6 =	simm.s32 @!p1 $0x1082;
	[sflag:s4] =	ssyncset.s32 $0xFFFFF086  }
0x25: {  	[simem:s6], [sflag:s4] =	dma.local [hbm:s3], $0xF7A  }
0x26: {  	[smem:$0x3F99] =	sst s1;
	(tag) =	ssettag s2;
	_ =	strace s9  }
0x27: {  	s1 =	sld [smem:$0x3FA9]  }
0x28: {  	s2 =	sld [smem:$0x3FAA]  }
0x29: {  	s4 =	sld [smem:$0x3FAC]  }
0x2a: {  	p0 =	seq.s32 s5, $0x0;
	s5 =	sld [smem:$0x3FAD]  }
0x2b: {  	s6 =	sld [smem:$0x3FAE]  }
0x2c: {  	s7 =	sld [smem:$0x3FAF]  }
0x2d: {  	s3 =	simm.s32 $0x108;
	s8 =	sld [smem:$0x3FB0]  }
0x2e: {  	s3 =	simm.s32 @!p0 $0x1082;
	s9 =	sld [smem:$0x3FB1]  }
0x2f: {  	lr =	sadd.s32 s0, s3;
	s0 =	sld [smem:$0x3FA8]  }
0x30: {  	s3 =	sld [smem:$0x3FAB]  }
0x31: {  	[smem:$0x3FB4] =	sst s10  }
0x32: {  	s10 =	sld [smem:$0x3FB2];
	_ =	sdelay $0x3  }
0x33: {  	p0 =	seq.s32 s10, $0x1;
	s10 =	sld [smem:$0x3FB4];
	_ =	sdelay $0x3  }
0x34: {  	[smem:$0x3FB4] =	sst s10  }
0x35: {  	s10 =	sld [smem:$0x3FB3];
	_ =	sdelay $0x3  }
0x36: {  	p1 =	seq.s32 s10, $0x1;
	s10 =	sld [smem:$0x3FB4];
	_ =	sdelay $0x3  }
0x37: {  	[smem:$0x3FB4] =	sst s10  }
0x38: {  	s10 =	sld [smem:$0x3FB5]  }
0x39: {  	_ = 	snop;
	(pc) =	sbr.ind lr, $3  }
0x3a: {  	_ = 	snop  }
0x3b: {  	_ = 	snop  }
0x3c: {  	p2 =	seq.s32 s10, $0x1;
	s10 =	sld [smem:$0x3FB4]  }
0x3d: {  	_ =	shalt  }
0x3e: {  	_ =	shalt  }
0x3f: {  	_ =	shalt  }
0x40: {  	_ =	shalt  }
0x41: {  	_ =	shalt  }
0x42: {  	_ =	shalt  }
0x43: {  	_ =	shalt  }
0x44: {  	_ =	shalt  }
0x45: {  	_ =	shalt  }
0x46: {  	_ =	shalt  }
0x47: {  	_ =	shalt  }
0x48: {  	_ =	shalt  }
0x49: {  	_ =	shalt  }
0x4a: {  	_ =	shalt  }
0x4b: {  	_ =	shalt  }
0x4c: {  	_ =	shalt  }
0x4d: {  	_ =	shalt  }
0x4e: {  	_ =	shalt  }
0x4f: {  	_ =	shalt  }
0x50: {  	_ =	shalt  }
0x51: {  	_ =	shalt  }
0x52: {  	_ =	shalt  }
0x53: {  	_ =	shalt  }
0x54: {  	_ =	shalt  }
0x55: {  	_ =	shalt  }
0x56: {  	_ =	shalt  }
0x57: {  	_ =	shalt  }
0x58: {  	_ =	shalt  }
0x59: {  	_ =	shalt  }
0x5a: {  	_ =	shalt  }
0x5b: {  	_ =	shalt  }
0x5c: {  	_ =	shalt  }
0x5d: {  	_ =	shalt  }
0x5e: {  	_ =	shalt  }
0x5f: {  	_ =	shalt  }
0x60: {  	_ =	shalt  }
0x61: {  	_ =	shalt  }
0x62: {  	_ =	shalt  }
0x63: {  	_ =	shalt  }
0x64: {  	_ =	shalt  }
0x65: {  	_ =	shalt  }
0x66: {  	_ =	shalt  }
0x67: {  	_ =	shalt  }
0x68: {  	_ =	shalt  }
0x69: {  	_ =	shalt  }
0x6a: {  	_ =	shalt  }
0x6b: {  	_ =	shalt  }
0x6c: {  	_ =	shalt  }
0x6d: {  	_ =	shalt  }
0x6e: {  	_ =	shalt  }
0x6f: {  	_ =	shalt  }
0x70: {  	_ =	shalt  }
0x71: {  	_ =	shalt  }
0x72: {  	_ =	shalt  }
0x73: {  	_ =	shalt  }
0x74: {  	_ =	shalt  }
0x75: {  	_ =	shalt  }
0x76: {  	_ =	shalt  }
0x77: {  	_ =	shalt  }
0x78: {  	_ =	shalt  }
0x79: {  	_ =	shalt  }
0x7a: {  	_ =	shalt  }
0x7b: {  	_ =	shalt  }
0x7c: {  	_ =	shalt  }
0x7d: {  	_ =	shalt  }
0x7e: {  	_ =	shalt  }
0x7f: {  	_ =	shalt  }
0x80: {  	_ =	shalt  }
0x81: {  	_ =	shalt  }
0x82: {  	_ =	shalt  }
0x83: {  	_ =	shalt  }
0x84: {  	_ =	shalt  }
0x85: {  	_ =	shalt  }
0x86: {  	_ =	shalt  }
0x87: {  	_ =	shalt  }
.Lfunc_end0:
.L_simem_size_0:
called_computation.1_lowered:
.L_overlay_start_0:
0x88: {  	s2 =	sld [smem:$0x3FD9]  }
0x89: {  	s3 =	sld [smem:$0x3FFE];
	_ =	sdelay $0x1  }
0x8a: {  	s1 =	srdreg.scid  }
0x8b: {  	s0 =	sand.u32 $0x1, s1  }
0x8c: {  	s17 =	sshll.u32 s0, $0xA;
	s2 =	sadd.s32 s3, s2  }
0x8d: {  	s2 =	sadd.s32 s2, s17  }
0x8e: {  	[smem:$0x3FC0] =	sst s2  }
0x8f: {  	_ = 	snop  }
0x90: {  	s18 =	sld [smem:$0x3FC7];
	(tm) =	ssettm $0x1  }
0x91: {  	s19 =	sld [smem:$0x3FFB];
	_ =	sdelay $0x3  }
0x92: {  	_ =	strace s19  }
0x93: {  	s2 =	sld [smem:$0x3FFC];
	_ =	sdelay $0x3  }
0x94: {  	_ =	strace s2  }
0x95: {  	s2 =	sld [smem:$0x3FFD];
	_ =	sdelay $0x3  }
0x96: {  	_ =	strace s2  }
0x97: {  	_ =	strace $0x8FFFFFFF  }
0x98: {  	s20 =	sld [smem:$0x3FDB];
	_ =	sdelay $0x1  }
0x99: {  	s4 =	simm.s32 $_scs_section_size  }
0x9a: {  	s5 =	simm.s32 $_size__tile_overlayer_lowered;
	s6 =	simm.s32 $_tile_overlayer_lowered  }
0x9b: {  	s7 =	simm.s32 $0x1BFF;
	s21 =	sshll.u32 s6, $0x1;
	s4 =	sadd.s32 s4, s20  }
0x9c: {  	s22 =	simm.s32 $0x0;
	s5 =	sshll.u32 s5, $0x1;
	s6 =	sadd.s32 s21, s4  }
0x9d: {  	[timem:s22], [sflag:s7] =	dma.local [hbm:s6], s5  }
0x9e: {  	_ =	swait.ge [sflag:s7], s5  }
0x9f: {  	s5 =	ssub.s32 $0x0, s5;
	[sflag:s7] =	ssyncset.done $0x0  }
0xa0: {  	[sflag:s7] =	ssyncadd.s32 s5;
	_ =	sdelay $0x1  }
0xa1: {  	s23 =	simm.s32 $0x1B8B  }
0xa2: {  	_ =	swait.ge [sflag:s23], $0x1  }
0xa3: {  	[sflag:s23] =	ssyncset.done $0x0  }
0xa4: {  	[sflag:s23] =	ssyncadd.s32 $0xFFFFFFFF  }
0xa5: {  	s5 =	sld [smem:$0x0]  }
0xa6: {  	s6 =	sand.u32 $0xFFFFFFFE, s1  }
0xa7: {  	p0 =	sne.s32 s1, s6  }
0xa8: {  	s6 =	sshll.u32 @p0 s6, $0xE  }
0xa9: {  	s6 =	sadd.s32 @p0 $0x11B8D, s6;
	s7 =	sshll.u32 @p0 s5, $0x11  }
0xaa: {  	s6 =	sor.u32 @p0 s7, s6  }
0xab: {  	[sflag:s6] =	ssyncadd.remote.s32 @p0 $0x1;
	_ =	sdelay $0x1  }
0xac: {  	s6 =	simm.s32 @p0 $0x1B8D  }
0xad: {  	_ =	swait.eq @p0 [sflag:s6], $0x1  }
0xae: {  	[sflag:s6] =	ssyncadd.s32 @p0 $0xFFFFFFFF  }
0xaf: {  	s7 =	sshll.u32 @!p0 s1, $0xE  }
0xb0: {  	s7 =	sor.u32 @!p0 $0x4000, s7;
	s6 =	simm.s32 @!p0 $0x1B8D  }
0xb1: {  	s5 =	sshll.u32 @!p0 s5, $0x11;
	s7 =	sadd.s32 @!p0 $0x11B8D, s7;
	_ =	swait.eq @!p0 [sflag:s6], $0x1  }
0xb2: {  	s5 =	sor.u32 @!p0 s5, s7;
	[sflag:s6] =	ssyncadd.s32 @!p0 $0xFFFFFFFF  }
0xb3: {  	s25 =	simm.s32 $0x1B8E;
	s24 =	sld [smem:$0x3FFE];
	[sflag:s5] =	ssyncadd.remote.s32 @!p0 $0x1  }
0xb4: {  	s26 =	simm.s32 $execute0_lowered;
	[smem:$0x3FD2] =	sst s25  }
0xb5: {  	s6 =	sshll.u32 s26, $0x1;
	_ =	strace $0x80000049;
	[dreg:$0x1] =	wrdreg $0xFFFFFFFF  }
0xb6: {  	s28 =	simm.s32 $_size_execute0_lowered;
	s4 =	sadd.s32 s4, s6;
	[dreg:$0x0] =	wrdreg $0x0  }
0xb7: {  	s6 =	sshll.u32 s28, $0x1;
	[dreg:$0x2] =	wrdreg s4  }
0xb8: {  	[dreg:$0x3] =	wrdreg s6  }
0xb9: {  	[dreg:$0x4] =	wrdreg $0xC0  }
0xba: {  	_ =	task [dreg:s22], $0x5FFFF  }
0xbb: {  	[dreg:$0x1] =	wrdreg $0xFFFFFFFF  }
0xbc: {  	[dreg:$0x0] =	wrdreg $0x60  }
0xbd: {  	[dreg:$0x2] =	wrdreg s18  }
0xbe: {  	[dreg:$0x3] =	wrdreg s24  }
0xbf: {  	[dreg:$0x4] =	wrdreg $0xA  }
0xc0: {  	_ =	task.clear_ibuf [dreg:s22], $0x5FFFF;
	_ =	strace $0x90000049  }
0xc1: {  	s29 =	simm.s32 $0xA;
	_ =	strace $0x8000004B  }
0xc2: {  	_ =	swait.ge [sflag:s29], $0x1  }
0xc3: {  	[sflag:s29] =	ssyncadd.s32 $0xFFFFFFFF  }
0xc4: {  	_ =	strace $0x9000004B  }
0xc5: {  	_ =	sfence  }
0xc6: {  	s30 =	sld [smem:$0x0];
	_ =	sdelay $0x2  }
0xc7: {  	s31 =	sshll.u32 s1, $0xD;
	s1 =	sshrl.u32 s1, $0x2  }
0xc8: {  	s4 =	sand.u32 $0x4000, s31;
	s1 =	sadd.s32 s1, s30  }
0xc9: {  	s0 =	sor.u32 s4, s0;
	s1 =	sshll.u32 s1, $0x11  }
0xca: {  	s0 =	sor.u32 s1, s0  }
0xcb: {  	s0 =	sadd.s32 $0x8F2B, s0  }
0xcc: {  	[sflag:s0] =	ssyncadd.remote.s32 $0x1  }
0xcd: {  	_ =	sfence.sel $0xFFFF  }
0xce: {  	[dreg:$0x0] =	wrdreg $0xFFFFFFFF;
	(pc) =	sbr.abs _section_cstart, $3  }
0xcf: {  	[dreg:$0x1] =	wrdreg $0xFFFFFFFF  }
0xd0: {  	_ =	task.clear_ibuf [dreg:s22], $0x2FFFF;
	_ =	strace $0x9FFFFFFF  }
0xd1: {  	(tm) =	ssettm $0x7FFFFFFF  }
tec
execute0_lowered:
.L_overlay_start_1:
0x0: {  	(tag) =	ssettag $0x1  }
0x1: {  	s1 =	srdreg.scid;
	s2 =	rddreg [dreg:$0x0]  }
0x2: {  	s0 =	stileid.u32;
	s5 =	rddreg [dreg:$0x1];
	s6 =	simm.s32 $0x1  }
0x3: {  	s9 =	simm.s32 $0x1;
	s10 =	simm.s32 $0x3;
	s1 =	sshll.u32 s1, $0xB  }
0x4: {  	s13 =	simm.s32 $0x0;
	s3 =	sshll.u32 s0, $0xC;
	s4 =	sand.u32 $0x800, s1  }
0x5: {  	s12 =	simm.s32 $0x0;
	s1 =	rddreg [dreg:$0x2];
	s3 =	sor.u32 s3, s4  }
0x6: {  	_ =	strace $0x8000004A;
	s4 =	sadd.s32 $0x1C00, s5;
	s8 =	ssub.s32 $0x20000, s3  }
.Ltmp0:
0x7: {  	s5 =	sadd.s32 $0x405C00, s5;
	s7 =	sand.u32 $0xF800, s8;
	(pc) =	sbr.rel .LBB2_1-.Ltmp0, $4  }
0x8: {  	[sflag:s6] =	ssyncpa.u1 $0x0;
	s11 =	smov.u32 s3;
	p0 =	sne.s32 s7, $0x0  }
0x9: {  	s8 =	sshrl.u32 s8, $0x10;
	s7 =	simm.s32 $0x2;
	s9 =	simm.s32 @!p0 $0x0  }
0xa: {  	[sflag:s7] =	ssyncpa.u1 $0x0;
	p0 =	por $0x0, $0x0;
	s8 =	sadd.s32 s9, s8  }
0xb: {  	vm0 =	vmmov $0xffff;
	v0 =	vimm.s32 $0x0;
	[sflag:s10] =	ssyncpa.u1 $0x0;
	s10 =	simm.s32 $0x0;
	s9 =	sadd.s32 $0x1, s8  }
.LBB2_4:
0xc: {  	vm1 =	veq.s32 v2, $0x80000000;
	v2 =	vand.u32 $0x1FFFF, v2  }
0xd: {  	v4 =	vadd.s32 v4, v5;
	v2 =	vsel vm1, $0xFFFFFFFF, v2;
	v62 =	vsel vm1, $0xFFFFFFFF, v0  }
0xe: {  	v3 =	vor.u32 v3, v4;
	v63 =	vand.u32 $0xFFFFFF80, v2;
	v5 =	vshll.u32 v62, $0x11  }
0xf: {  	v2 =	vand.u32 $0x7F, v2;
	v4 =	vadd.s32 v63, v5  }
0x10: {  	v2 =	vor.u32 v2, v4  }
0x11: {  	[tilespmem:s15], [sflag:$0x1] =	stream.indirect_vreg.gather [hbm4b:s2+s10], $0x1, v1, vm0, $0x4038;
	[tilespmem:$0x2000] =	vst v63  }
0x12: {  	(ifvalue) =	ssetifvalue $0x7FFFFFFF  }
0x13: {  	[tilespmem:s16], [sflag:$0x1] =	stream.indirect_vreg.gather [hbm4b:s2+s10], $0x1, v3, vm0, $0x4038;
	[tilespmem:$0x2000] =	vst v63  }
0x14: {  	s29 =	sadd.s32 $0x10, s16;
	(ifvalue) =	ssetifvalue $0x7FFFFFFF  }
0x15: {  	[tilespmem:s29], [sflag:$0x1] =	stream.indirect_vreg.gather [hbm4b:s2+s10], $0x1, v2, vm0, $0x4038;
	[tilespmem:$0x2000] =	vst v63  }
0x16: {  	_ =	swait.ge [sflag:s6], $0x800  }
0x17: {  	s30 =	sshrl.u32 s13, $0x3;
	[sflag:s6] =	ssyncset.done $0x0  }
0x18: {  	s31 =	sand.u32 $0x7, s13;
	s15 =	sadd.s32 s5, s30;
	[sflag:s6] =	ssyncadd.s32 $0xFFFFF800  }
0x19: {  	[hbm4b:s15+s31] =	stream.linear.scatter [tilespmem:s14], [sflag:$0x3], $0x800, $0x38;
	[tilespmem:$0x2000] =	vst v63  }
.LBB2_5:
0x1a: {  	s15 =	sadd.s32 $0x10000, s11  }
0x1b: {  	p2 =	sgt.s32 s15, $0x1FFFF  }
0x1c: {  	s15 =	smov.u32 @p2 s3;
	p2 =	sne.s32 s12, s9  }
.Ltmp1:
0x1d: {  	p1 =	slt.u32 s12, $0x2;
	(pc) =	sbr.rel @!p2 .LBB2_6-.Ltmp1, $4  }
0x1e: {  	s14 =	simm.s32 @!p1 $0x3  }
0x1f: {  	s16 =	sadd.s32 $0x1, s12;
	_ =	swait.ge @!p1 [sflag:s14], $0x800  }
0x20: {  	s13 =	smov.u32 s11;
	p0 =	por !p0, !p0;
	[sflag:s14] =	ssyncset.done @!p1 $0x0  }
0x21: {  	s12 =	smov.u32 s16;
	s11 =	smov.u32 s15;
	[sflag:s14] =	ssyncadd.s32 @!p1 $0xFFFFF800  }
.LBB2_1:
0x22: {  	p1 =	sge.u32 s12, s8  }
0x23: {  	s14 =	sxor.u32 @!p1 $0xFFFFFFFF, s12  }
0x24: {  	s31 =	sadd.s32 $0xFFFFFFFF, s12;
	s15 =	sshrl.u32 @!p1 s11, $0x3;
	s14 =	sshll.u32 @!p1 s14, $0xB  }
0x25: {  	s16 =	sand.u32 @!p1 $0x7, s11;
	s15 =	sadd.s32 @!p1 s4, s15;
	s14 =	sand.u32 @!p1 $0x800, s14  }
0x26: {  	[tilespmem:s14], [sflag:$0x2] =	stream.linear.gather @!p1 [hbm4b:s15+s16], $0x800, $0x38;
	[tilespmem:$0x2000] =	vst v63  }
0x27: {  	p1 =	sge.u32 s31, s8  }
.Ltmp2:
0x28: {  	_ = 	snop;
	(pc) =	sbr.rel @p1 .LBB2_5-.Ltmp2, $1  }
0x29: {  	_ =	sdelay $0x3  }
0x2a: {  	s14 =	simm.s32 $0x1  }
0x2b: {  	_ =	swait.ge [sflag:s7], $0x800;
	s14 =	simm.s32 @!p0 $0x0  }
0x2c: {  	[sflag:s7] =	ssyncset.done $0x0;
	s14 =	sshll.u32 s14, $0xB  }
0x2d: {  	[sflag:s7] =	ssyncadd.s32 $0xFFFFF800;
	(ifvalue) =	ssetifvalue $0x7FFFFFFF;
	v1 =	vld.msk [tilespmem:s14+$0x0 ss:$0x1], $0xffff;
	_ =	sdelay $0x4  }
0x2e: {  	s15 =	sadd.s32 $0x10, s14;
	vm1 =	veq.s32 v1, $0x80000000;
	v1 =	vand.u32 $0x1FFFF, v1  }
0x2f: {  	v2 =	vld.msk [tilespmem:s15+$0x0 ss:$0x1], $0xffff;
	v3 =	vsel vm1, $0xFFFFFFFF, v0;
	v1 =	vsel vm1, $0xFFFFFFFF, v1  }
0x30: {  	v4 =	vand.u32 $0xFFFFFF80, v1;
	v3 =	vshll.u32 v3, $0x11  }
0x31: {  	v1 =	vand.u32 $0x7F, v1;
	v3 =	vadd.s32 v4, v3  }
0x32: {  	v1 =	vor.u32 v1, v3;
	_ =	sdelay $0x1  }
0x33: {  	s16 =	sshll.u32 s12, $0xB;
	s18 =	simm.s32 $0x20;
	vm1 =	veq.s32 v2, $0x80000000;
	v4 =	vand.u32 $0x1FFFF, v2  }
0x34: {  	s16 =	sand.u32 $0x800, s16;
	s17 =	sadd.s32 $0x10, s15;
	s15 =	sor.u32 $0x1000, s14;
	v5 =	vsel vm1, $0xFFFFFFFF, v0;
	v3 =	vsel vm1, $0xFFFFFFFF, v4  }
0x35: {  	s14 =	sor.u32 $0x1000, s16;
	s16 =	sadd.s32 $0x10, s15;
	v2 =	vld.msk [tilespmem:s17+$0x0 ss:$0x1], $0xffff;
	v5 =	vshll.u32 v5, $0x11;
	(ifvalue) =	ssetifvalue $0x7FFFFFFF;
	v4 =	vand.u32 $0xFFFFFF80, v3;
	v3 =	vand.u32 $0x7F, v3  }
.LBB2_3:
0x36: {  	[tilespmem:s15], [sflag:$0x1] =	stream.indirect_vreg.gather [hbm4b:s2+s10], $0x1, v1, vm0, $0x4038;
	[tilespmem:$0x2000] =	vst v63  }
0x37: {  	s18 =	sadd.s32 $0x10, s18  }
0x38: {  	v4 =	vadd.s32 v4, v5;
	p1 =	slt.u32 s18, $0x7F0  }
.Ltmp3:
0x39: {  	s15 =	smov.u32 s16;
	v1 =	vor.u32 v3, v4;
	(pc) =	sbr.rel @p1 .LBB2_3-.Ltmp3, $4  }
0x3a: {  	s17 =	sadd.s32 $0x10, s17  }
0x3b: {  	vm1 =	veq.s32 v2, $0x80000000;
	v3 =	vand.u32 $0x1FFFF, v2;
	v2 =	vld.msk [tilespmem:s17+$0x0 ss:$0x1], $0xffff  }
0x3c: {  	v5 =	vsel vm1, $0xFFFFFFFF, v0;
	v3 =	vsel vm1, $0xFFFFFFFF, v3  }
0x3d: {  	s16 =	sadd.s32 $0x10, s16;
	v5 =	vshll.u32 v5, $0x11;
	v4 =	vand.u32 $0xFFFFFF80, v3;
	v3 =	vand.u32 $0x7F, v3;
	(ifvalue) =	ssetifvalue $0x7FFFFFFF  }
.Ltmp4:
0x3e: {  	_ = 	snop;
	(pc) =	sbr.rel .LBB2_4-.Ltmp4, $1  }
0x3f: {  	_ =	sdelay $0x3  }
.LBB2_6:
0x40: {  	_ =	sfence.sel $0x180000  }
0x41: {  	s2 =	simm.s32 $0x2;
	[bflag:$0x0] =	sbarrier.arrive $0xFFFF  }
0x42: {  	s30 =	simm.s32 $0x3;
	[sflag:s2] =	ssyncpa.u1 $0x1  }
0x43: {  	s31 =	simm.s32 $0x1;
	[sflag:s30] =	ssyncpa.u1 $0x1  }
0x44: {  	[sflag:s31] =	ssyncpa.u1 $0x1  }
0x45: {  	p0 =	sne.s32 s0, $0x0;
	_ =	strace $0x9000004A  }
0x46: {  	s0 =	sadd.s32 @!p0 $0x100000, s1;
	[bflag:$0x2] =	sbarrier.arrive $0xFFFF  }
0x47: {  	[sflag:s0] =	ssyncadd.tile.s32 @!p0 $0x1;
	_ =	shalt  }
.Lfunc_end2:
_tile_overlayer_lowered:
.L_overlay_start_2:
0x48: {  	(tag) =	ssettag $0x2  }
0x49: {  	s0 =	rddreg [dreg:$0x0];
	s2 =	stileid.u32  }
0x4a: {  	s1 =	rddreg [dreg:$0x1];
	p0 =	sne.s32 s2, $0x0  }
0x4b: {  	s3 =	rddreg [dreg:$0x2];
	[bflag:$0x3] =	sbarrier.arrive $0xFFFF;
	s2 =	simm.s32 @!p0 $0x1C01  }
0x4c: {  	[timem:s3], [sflag:s2] =	dma.local @!p0 [hbm:s0], s1  }
0x4d: {  	s0 =	simm.s32 @!p0 $0x1  }
0x4e: {  	_ =	swait.ge @!p0 [sflag:s0], s1  }
0x4f: {  	s1 =	ssub.s32 @!p0 $0x0, s1;
	[sflag:s0] =	ssyncset.done @!p0 $0x0  }
0x50: {  	[sflag:s0] =	ssyncadd.s32 @!p0 s1  }
0x51: {  	[bflag:$0x3] =	sbarrier.arrive $0xFFFF  }
0x52: {  	_ =	shalt  }

// kernel: gather_offload_async_start
scs
__scs_entry_jumppad:
0x0: {  	(pc) =	sbr.rel $0x88, $3  }
0x1: {  	(tag) =	ssettag $0x0;
	lr =	simm.s32 $0x1  }
0x2: {  	[smem:$0x3F99] =	sst lr;
	_ =	strace $0xD0000000  }
0x3: {  	_ = 	snop  }
0x4: {  	_ = 	snop  }
0x5: {  	_ = 	snop  }
0x6: {  	_ = 	snop  }
0x7: {  	_ = 	snop  }
__scs_overlays_trampoline_lowered:
0x8: {  	[smem:$0x3FA8] =	sst s0  }
0x9: {  	[smem:$0x3FA9] =	sst s1  }
0xa: {  	[smem:$0x3FAA] =	sst s2  }
0xb: {  	[smem:$0x3FAB] =	sst s3  }
0xc: {  	[smem:$0x3FAC] =	sst s4  }
0xd: {  	[smem:$0x3FAD] =	sst s5  }
0xe: {  	[smem:$0x3FAE] =	sst s6  }
0xf: {  	[smem:$0x3FAF] =	sst s7  }
0x10: {  	[smem:$0x3FB0] =	sst s8  }
0x11: {  	[smem:$0x3FB1] =	sst s9;
	s0 =	simm.s32 @!p0 $0x0  }
0x12: {  	s1 =	sld [smem:$0x3F97];
	s0 =	simm.s32 @p0 $0x1  }
0x13: {  	[smem:$0x3FB2] =	sst s0;
	s0 =	simm.s32 @!p1 $0x0  }
0x14: {  	s2 =	sld [smem:$0x3F96];
	s0 =	simm.s32 @p1 $0x1  }
0x15: {  	[smem:$0x3FB3] =	sst s0;
	s0 =	simm.s32 @!p2 $0x0  }
0x16: {  	s3 =	sld [smem:$0x3FDB];
	s0 =	simm.s32 @p2 $0x1  }
0x17: {  	s4 =	simm.s32 $0x1BF5;
	[smem:$0x3FB5] =	sst s0  }
0x18: {  	s0 =	sld [smem:$0x3F98];
	_ =	swait.ge [sflag:s4], $0x0  }
0x19: {  	s7 =	sld [smem:$0x3F99]  }
0x1a: {  	s8 =	sadd.s32 $0xFFFFE003, lr  }
0x1b: {  	s9 =	sadd.s32 $0xFFFFFEF7, lr;
	s5 =	simm.s32 $0xFFFFFFFF;
	p2 =	slt.u32 s8, $0xFFFFF086  }
0x1c: {  	p1 =	slt.u32 s9, $0xF7A;
	s5 =	simm.s32 @!p2 $0x0  }
0x1d: {  	s5 =	simm.s32 @p1 $0x1;
	p0 =	seq.s32 s7, s2  }
0x1e: {  	s7 =	smul.u32 @!p0 $0xF7A, s2;
	p2 =	seq.s32 @!p0 s5, $0x0  }
0x1f: {  	s9 =	smul.u32 $0xF7A, s1;
	s8 =	simm.s32 @!p0 $0x1BF5;
	p2 =	por !p2, p0  }
0x20: {  	[sflag:s8] =	ssyncset.s32 @!p0 $0xFFFFF086;
	s6 =	sadd.s32 @!p0 s3, s7;
	s7 =	simm.s32 @!p0 $0x108  }
0x21: {  	s3 =	sadd.s32 s3, s9;
	s6 =	sadd.s32 @!p0 $0x88, s6;
	s7 =	simm.s32 @p2 $0x1082  }
0x22: {  	[simem:s7], [sflag:s8] =	dma.local @!p0 [hbm:s6], $0xF7A  }
0x23: {  	s9 =	sor.u32 $0xD0000000, s2;
	s6 =	simm.s32 $0x108;
	_ =	swait.ge @!p0 [sflag:s8], $0x0  }
0x24: {  	s3 =	sadd.s32 $0x88, s3;
	s6 =	simm.s32 @!p1 $0x1082;
	[sflag:s4] =	ssyncset.s32 $0xFFFFF086  }
0x25: {  	[simem:s6], [sflag:s4] =	dma.local [hbm:s3], $0xF7A  }
0x26: {  	[smem:$0x3F99] =	sst s1;
	(tag) =	ssettag s2;
	_ =	strace s9  }
0x27: {  	s1 =	sld [smem:$0x3FA9]  }
0x28: {  	s2 =	sld [smem:$0x3FAA]  }
0x29: {  	s4 =	sld [smem:$0x3FAC]  }
0x2a: {  	p0 =	seq.s32 s5, $0x0;
	s5 =	sld [smem:$0x3FAD]  }
0x2b: {  	s6 =	sld [smem:$0x3FAE]  }
0x2c: {  	s7 =	sld [smem:$0x3FAF]  }
0x2d: {  	s3 =	simm.s32 $0x108;
	s8 =	sld [smem:$0x3FB0]  }
0x2e: {  	s3 =	simm.s32 @!p0 $0x1082;
	s9 =	sld [smem:$0x3FB1]  }
0x2f: {  	lr =	sadd.s32 s0, s3;
	s0 =	sld [smem:$0x3FA8]  }
0x30: {  	s3 =	sld [smem:$0x3FAB]  }
0x31: {  	[smem:$0x3FB4] =	sst s10  }
0x32: {  	s10 =	sld [smem:$0x3FB2];
	_ =	sdelay $0x3  }
0x33: {  	p0 =	seq.s32 s10, $0x1;
	s10 =	sld [smem:$0x3FB4];
	_ =	sdelay $0x3  }
0x34: {  	[smem:$0x3FB4] =	sst s10  }
0x35: {  	s10 =	sld [smem:$0x3FB3];
	_ =	sdelay $0x3  }
0x36: {  	p1 =	seq.s32 s10, $0x1;
	s10 =	sld [smem:$0x3FB4];
	_ =	sdelay $0x3  }
0x37: {  	[smem:$0x3FB4] =	sst s10  }
0x38: {  	s10 =	sld [smem:$0x3FB5]  }
0x39: {  	_ = 	snop;
	(pc) =	sbr.ind lr, $3  }
0x3a: {  	_ = 	snop  }
0x3b: {  	_ = 	snop  }
0x3c: {  	p2 =	seq.s32 s10, $0x1;
	s10 =	sld [smem:$0x3FB4]  }
0x3d: {  	_ =	shalt  }
0x3e: {  	_ =	shalt  }
0x3f: {  	_ =	shalt  }
0x40: {  	_ =	shalt  }
0x41: {  	_ =	shalt  }
0x42: {  	_ =	shalt  }
0x43: {  	_ =	shalt  }
0x44: {  	_ =	shalt  }
0x45: {  	_ =	shalt  }
0x46: {  	_ =	shalt  }
0x47: {  	_ =	shalt  }
0x48: {  	_ =	shalt  }
0x49: {  	_ =	shalt  }
0x4a: {  	_ =	shalt  }
0x4b: {  	_ =	shalt  }
0x4c: {  	_ =	shalt  }
0x4d: {  	_ =	shalt  }
0x4e: {  	_ =	shalt  }
0x4f: {  	_ =	shalt  }
0x50: {  	_ =	shalt  }
0x51: {  	_ =	shalt  }
0x52: {  	_ =	shalt  }
0x53: {  	_ =	shalt  }
0x54: {  	_ =	shalt  }
0x55: {  	_ =	shalt  }
0x56: {  	_ =	shalt  }
0x57: {  	_ =	shalt  }
0x58: {  	_ =	shalt  }
0x59: {  	_ =	shalt  }
0x5a: {  	_ =	shalt  }
0x5b: {  	_ =	shalt  }
0x5c: {  	_ =	shalt  }
0x5d: {  	_ =	shalt  }
0x5e: {  	_ =	shalt  }
0x5f: {  	_ =	shalt  }
0x60: {  	_ =	shalt  }
0x61: {  	_ =	shalt  }
0x62: {  	_ =	shalt  }
0x63: {  	_ =	shalt  }
0x64: {  	_ =	shalt  }
0x65: {  	_ =	shalt  }
0x66: {  	_ =	shalt  }
0x67: {  	_ =	shalt  }
0x68: {  	_ =	shalt  }
0x69: {  	_ =	shalt  }
0x6a: {  	_ =	shalt  }
0x6b: {  	_ =	shalt  }
0x6c: {  	_ =	shalt  }
0x6d: {  	_ =	shalt  }
0x6e: {  	_ =	shalt  }
0x6f: {  	_ =	shalt  }
0x70: {  	_ =	shalt  }
0x71: {  	_ =	shalt  }
0x72: {  	_ =	shalt  }
0x73: {  	_ =	shalt  }
0x74: {  	_ =	shalt  }
0x75: {  	_ =	shalt  }
0x76: {  	_ =	shalt  }
0x77: {  	_ =	shalt  }
0x78: {  	_ =	shalt  }
0x79: {  	_ =	shalt  }
0x7a: {  	_ =	shalt  }
0x7b: {  	_ =	shalt  }
0x7c: {  	_ =	shalt  }
0x7d: {  	_ =	shalt  }
0x7e: {  	_ =	shalt  }
0x7f: {  	_ =	shalt  }
0x80: {  	_ =	shalt  }
0x81: {  	_ =	shalt  }
0x82: {  	_ =	shalt  }
0x83: {  	_ =	shalt  }
0x84: {  	_ =	shalt  }
0x85: {  	_ =	shalt  }
0x86: {  	_ =	shalt  }
0x87: {  	_ =	shalt  }
.Lfunc_end0:
.L_simem_size_0:
called_computation_lowered:
.L_overlay_start_0:
0x88: {  	s2 =	sld [smem:$0x3FD9]  }
0x89: {  	s3 =	sld [smem:$0x3FFE];
	_ =	sdelay $0x1  }
0x8a: {  	s1 =	srdreg.scid  }
0x8b: {  	s0 =	sand.u32 $0x1, s1  }
0x8c: {  	s16 =	sshll.u32 s0, $0xA;
	s2 =	sadd.s32 s3, s2  }
0x8d: {  	s2 =	sadd.s32 s2, s16  }
0x8e: {  	[smem:$0x3FC0] =	sst s2  }
0x8f: {  	_ = 	snop  }
0x90: {  	(tm) =	ssettm $0x1  }
0x91: {  	s17 =	sld [smem:$0x3FFB];
	_ =	sdelay $0x3  }
0x92: {  	_ =	strace s17  }
0x93: {  	s2 =	sld [smem:$0x3FFC];
	_ =	sdelay $0x3  }
0x94: {  	_ =	strace s2  }
0x95: {  	s2 =	sld [smem:$0x3FFD];
	_ =	sdelay $0x3  }
0x96: {  	_ =	strace s2  }
0x97: {  	_ =	strace $0x8FFFFFFF  }
0x98: {  	s18 =	sld [smem:$0x3FDB];
	_ =	sdelay $0x1  }
0x99: {  	s19 =	simm.s32 $_scs_section_size  }
0x9a: {  	s4 =	simm.s32 $_size__tile_overlayer_lowered;
	s5 =	simm.s32 $_tile_overlayer_lowered  }
0x9b: {  	s22 =	simm.s32 $0x1BFF;
	s21 =	sshll.u32 s5, $0x1;
	s2 =	sadd.s32 s19, s18  }
0x9c: {  	s6 =	simm.s32 $0x0;
	s20 =	sshll.u32 s4, $0x1;
	s4 =	sadd.s32 s21, s2  }
0x9d: {  	[timem:s6], [sflag:s22] =	dma.local [hbm:s4], s20  }
0x9e: {  	_ =	swait.ge [sflag:s22], s20  }
0x9f: {  	s3 =	ssub.s32 $0x0, s20;
	[sflag:s22] =	ssyncset.done $0x0  }
0xa0: {  	[sflag:s22] =	ssyncadd.s32 s3;
	_ =	sdelay $0x1  }
0xa1: {  	s23 =	simm.s32 $0x1B8B  }
0xa2: {  	_ =	swait.ge [sflag:s23], $0x1  }
0xa3: {  	[sflag:s23] =	ssyncset.done $0x0  }
0xa4: {  	s25 =	simm.s32 $0x1B8E;
	s24 =	sld [smem:$0x3FFE];
	[sflag:s23] =	ssyncadd.s32 $0xFFFFFFFF  }
0xa5: {  	s26 =	simm.s32 $execute0_lowered;
	[smem:$0x3FD2] =	sst s25  }
0xa6: {  	s4 =	sshll.u32 s26, $0x1;
	_ =	strace $0x80000046;
	[dreg:$0x1] =	wrdreg $0xFFFFFFFF  }
0xa7: {  	s28 =	simm.s32 $_size_execute0_lowered;
	s2 =	sadd.s32 s2, s4;
	[dreg:$0x0] =	wrdreg $0x0  }
0xa8: {  	s4 =	sshll.u32 s28, $0x1;
	[dreg:$0x2] =	wrdreg s2  }
0xa9: {  	[dreg:$0x3] =	wrdreg s4  }
0xaa: {  	[dreg:$0x4] =	wrdreg $0xC0  }
0xab: {  	_ =	task [dreg:s6], $0x5FFFF  }
0xac: {  	[dreg:$0x1] =	wrdreg $0xFFFFFFFF  }
0xad: {  	[dreg:$0x0] =	wrdreg $0x60  }
0xae: {  	[dreg:$0x2] =	wrdreg s24  }
0xaf: {  	[dreg:$0x3] =	wrdreg $0x9  }
0xb0: {  	_ =	task.clear_ibuf [dreg:s6], $0x4FFFF;
	_ =	strace $0x90000046  }
0xb1: {  	s29 =	simm.s32 $0x9;
	_ =	strace $0x80000048  }
0xb2: {  	_ =	swait.ge [sflag:s29], $0x1  }
0xb3: {  	[sflag:s29] =	ssyncadd.s32 $0xFFFFFFFF  }
0xb4: {  	_ =	strace $0x90000048  }
0xb5: {  	_ =	sfence  }
0xb6: {  	s30 =	sld [smem:$0x0];
	_ =	sdelay $0x2  }
0xb7: {  	s31 =	sshll.u32 s1, $0xD;
	s1 =	sshrl.u32 s1, $0x2  }
0xb8: {  	s3 =	sand.u32 $0x4000, s31;
	s1 =	sadd.s32 s1, s30  }
0xb9: {  	s0 =	sor.u32 s3, s0;
	s1 =	sshll.u32 s1, $0x11  }
0xba: {  	s0 =	sor.u32 s1, s0  }
0xbb: {  	s0 =	sadd.s32 $0x8F2B, s0  }
0xbc: {  	[sflag:s0] =	ssyncadd.remote.s32 $0x1  }
0xbd: {  	_ =	sfence.sel $0xFFFF  }
0xbe: {  	[dreg:$0x0] =	wrdreg $0xFFFFFFFF;
	(pc) =	sbr.abs _section_cstart, $3  }
0xbf: {  	[dreg:$0x1] =	wrdreg $0xFFFFFFFF  }
0xc0: {  	_ =	task.clear_ibuf [dreg:s6], $0x2FFFF;
	_ =	strace $0x9FFFFFFF  }
0xc1: {  	(tm) =	ssettm $0x7FFFFFFF  }
tec
execute0_lowered:
.L_overlay_start_1:
0x0: {  	(tag) =	ssettag $0x1  }
0x1: {  	s7 =	rddreg [dreg:$0x0]  }
0x2: {  	s0 =	rddreg [dreg:$0x1];
	_ =	strace $0x80000047  }
0x3: {  	s1 =	srdreg.scid;
	s4 =	simm.s32 $0x1;
	s9 =	simm.s32 $0x3  }
0x4: {  	s11 =	simm.s32 $0x0;
	p0 =	por $0x0, $0x0;
	s5 =	sshll.u32 s1, $0x4  }
.Ltmp0:
0x5: {  	s1 =	stileid.u32;
	s5 =	sand.u32 $0x10, s5;
	(pc) =	sbr.rel .LBB2_1-.Ltmp0, $4  }
0x6: {  	s2 =	sadd.s32 $0x5C00, s7;
	s3 =	sadd.s32 $0x1C00, s7;
	s6 =	sor.u32 s1, s5  }
0x7: {  	[sflag:s4] =	ssyncpa.u1 $0x0;
	s5 =	simm.s32 $0x2;
	s6 =	sshll.u32 s6, $0xC  }
0x8: {  	s7 =	sadd.s32 $0x205C00, s7;
	[sflag:s5] =	ssyncpa.u1 $0x0;
	s8 =	sadd.s32 $0x1000, s6  }
0x9: {  	v0 =	vimm.s32 $0x0;
	vm0 =	vmmov $0xff;
	vm1 =	vcmask $0x3F20;
	[sflag:s9] =	ssyncpa.u1 $0x0;
	s10 =	smov.u32 s6;
	s9 =	simm.s32 $0x0  }
.LBB2_7:
0xa: {  	p1 =	slt.u32 s9, $0x2;
	s11 =	sadd.s32 $0x100, s10  }
0xb: {  	s13 =	smov.u32 s6;
	s9 =	sadd.s32 $0x1, s9;
	p2 =	slt.s32 s11, s8  }
0xc: {  	s13 =	smov.u32 @p2 s11;
	p2 =	sne.s32 s9, $0x12  }
.Ltmp1:
0xd: {  	_ = 	snop;
	(pc) =	sbr.rel @!p2 .LBB2_8-.Ltmp1, $4  }
0xe: {  	s12 =	simm.s32 @!p1 $0x3  }
0xf: {  	_ =	swait.ge @!p1 [sflag:s12], $0x8000  }
0x10: {  	p0 =	por !p0, !p0;
	[sflag:s12] =	ssyncset.done @!p1 $0x0  }
0x11: {  	s11 =	smov.u32 s10;
	s10 =	smov.u32 s13;
	[sflag:s12] =	ssyncadd.s32 @!p1 $0xFFFF8000  }
.LBB2_1:
0x12: {  	p1 =	sgt.u32 s9, $0xF  }
0x13: {  	s12 =	sxor.u32 @!p1 $0xFFFFFFFF, s9  }
0x14: {  	s13 =	sshrl.u32 @!p1 s10, $0x3;
	s12 =	sshll.u32 @!p1 s12, $0x8  }
0x15: {  	s14 =	sand.u32 @!p1 $0x7, s10;
	s13 =	sadd.s32 @!p1 s3, s13;
	s12 =	sand.u32 @!p1 $0x100, s12  }
0x16: {  	[tilespmem:s12], [sflag:$0x2] =	stream.linear.gather @!p1 [hbm4b:s13+s14], $0x100, $0x38;
	[tilespmem:$0x10200] =	vst v63  }
0x17: {  	p1 =	seq.s32 s9, $0x0  }
0x18: {  	p2 =	seq.s32 @!p1 s9, $0x11  }
0x19: {  	p1 =	por p1, p2  }
.Ltmp2:
0x1a: {  	_ = 	snop;
	(pc) =	sbr.rel @p1 .LBB2_7-.Ltmp2, $1  }
0x1b: {  	_ =	sdelay $0x3  }
0x1c: {  	s12 =	simm.s32 $0x1  }
0x1d: {  	_ =	swait.ge [sflag:s5], $0x100;
	s12 =	simm.s32 @!p0 $0x0  }
0x1e: {  	[sflag:s5] =	ssyncset.done $0x0;
	s14 =	sshll.u32 s12, $0x8  }
0x1f: {  	[sflag:s5] =	ssyncadd.s32 $0xFFFFFF00;
	s13 =	sadd.s32 $0x0, s14  }
0x20: {  	v1 =	vld.msk [tilespmem:s13+$0x0 ss:$0x1], $0xffff;
	_ =	sdelay $0x4  }
0x21: {  	v2 =	vshll.u32 v1, $0x7  }
0x22: {  	vm2 =	veq.s32 v1, $0x80000000;
	v1 =	vand.u32 $0xFFFF80, v2  }
0x23: {  	v2 =	vsel vm2, $0xFFFFFFFF, v0;
	v1 =	vsel vm2, $0xFFFFFF80, v1  }
0x24: {  	v2 =	vshll.u32 v2, $0x18;
	v3 =	vand.u32 $0xFFFFFC00, v1  }
0x25: {  	v1 =	vand.u32 $0x380, v1;
	v2 =	vadd.s32 v2, v3  }
0x26: {  	v1 =	vor.u32 v1, v2  }
0x27: {  	v1 =	vshrl.u32 v1, $0x3;
	_ =	sdelay $0x2  }
0x28: {  	s12 =	sshll.u32 s12, $0xF  }
0x29: {  	s12 =	sor.u32 $0x200, s12  }
0x2a: {  	[tilespmem:s12], [sflag:$0x1] =	stream.indirect_vreg.gather [hbm:s2], $0x80, v1, vm0, $0x38;
	[tilespmem:$0x10200] =	vst v63  }
0x2b: {  	s15 =	sadd.s32 $0x10, s14;
	s13 =	sadd.s32 $0x400, s12  }
0x2c: {  	[tilespmem:s13], [sflag:$0x1] =	stream.indirect_vreg.gather [hbm:s2], $0x80, v1, vm1, $0x38;
	[tilespmem:$0x10200] =	vst v63  }
0x2d: {  	s16 =	simm.s32 $0x80;
	v1 =	vld.msk [tilespmem:s15+$0x0 ss:$0x1], $0xffff;
	s15 =	smov.u32 s12  }
.LBB2_3:
0x2e: {  	p1 =	sne.s32 s16, $0x3C0;
	_ =	sdelay $0x4  }
0x2f: {  	v2 =	vshll.u32 v1, $0x7  }
0x30: {  	vm2 =	veq.s32 v1, $0x80000000;
	v1 =	vand.u32 $0xFFFF80, v2  }
0x31: {  	v2 =	vsel vm2, $0xFFFFFFFF, v0;
	v1 =	vsel vm2, $0xFFFFFF80, v1  }
0x32: {  	v2 =	vshll.u32 v2, $0x18;
	v3 =	vand.u32 $0xFFFFFC00, v1  }
0x33: {  	v1 =	vand.u32 $0x380, v1;
	v2 =	vadd.s32 v2, v3  }
0x34: {  	v1 =	vor.u32 v1, v2  }
0x35: {  	v1 =	vshrl.u32 v1, $0x3;
	_ =	sdelay $0x3  }
.Ltmp3:
0x36: {  	s17 =	sshra.s32 s16, $0x2;
	s15 =	sadd.s32 $0x800, s15;
	(pc) =	sbr.rel @p1 .LBB2_3-.Ltmp3, $4  }
0x37: {  	[tilespmem:s15], [sflag:$0x1] =	stream.indirect_vreg.gather [hbm:s2], $0x80, v1, vm0, $0x38;
	[tilespmem:$0x10200] =	vst v63  }
0x38: {  	s17 =	sadd.s32 s17, s14;
	s18 =	sadd.s32 $0x400, s15  }
0x39: {  	[tilespmem:s18], [sflag:$0x1] =	stream.indirect_vreg.gather [hbm:s2], $0x80, v1, vm1, $0x38;
	[tilespmem:$0x10200] =	vst v63  }
0x3a: {  	s16 =	sadd.s32 $0x40, s16;
	v1 =	vld.msk [tilespmem:s17+$0x0 ss:$0x1], $0xffff  }
0x3b: {  	_ =	sdelay $0x3  }
0x3c: {  	v2 =	vshll.u32 v1, $0x7  }
0x3d: {  	vm2 =	veq.s32 v1, $0x80000000;
	v1 =	vand.u32 $0xFFFF80, v2  }
0x3e: {  	v2 =	vsel vm2, $0xFFFFFFFF, v0;
	v1 =	vsel vm2, $0xFFFFFF80, v1  }
0x3f: {  	v2 =	vshll.u32 v2, $0x18;
	v3 =	vand.u32 $0xFFFFFC00, v1  }
0x40: {  	v1 =	vand.u32 $0x380, v1;
	v2 =	vadd.s32 v2, v3  }
0x41: {  	v1 =	vor.u32 v1, v2  }
0x42: {  	v1 =	vshrl.u32 v1, $0x3;
	_ =	sdelay $0x3  }
0x43: {  	s14 =	sadd.s32 $0x800, s15  }
0x44: {  	[tilespmem:s14], [sflag:$0x1] =	stream.indirect_vreg.gather [hbm:s2], $0x80, v1, vm0, $0x38;
	[tilespmem:$0x10200] =	vst v63  }
0x45: {  	s14 =	sadd.s32 $0x400, s14  }
0x46: {  	[tilespmem:s14], [sflag:$0x1] =	stream.indirect_vreg.gather [hbm:s2], $0x80, v1, vm1, $0x38;
	[tilespmem:$0x10200] =	vst v63  }
0x47: {  	s11 =	sshll.u32 s11, $0x4;
	_ =	swait.ge [sflag:s4], $0x8000  }
0x48: {  	s11 =	sadd.s32 s11, s7;
	[sflag:s4] =	ssyncset.done $0x0  }
0x49: {  	s15 =	sadd.s32 $0x0, s11;
	s14 =	simm.s32 $0x80;
	[sflag:s4] =	ssyncadd.s32 $0xFFFF8000  }
.LBB2_5:
0x4a: {  	[hbm:s15] =	stream.linear.scatter [tilespmem:s12], [sflag:$0x3], $0x400, $0x38;
	[tilespmem:$0x10200] =	vst v63  }
0x4b: {  	s15 =	smov.u32 s14;
	s12 =	smov.u32 s13;
	p1 =	sne.s32 s14, $0xF80  }
.Ltmp4:
0x4c: {  	s14 =	sadd.s32 $0x80, s14;
	(pc) =	sbr.rel @p1 .LBB2_5-.Ltmp4, $2  }
0x4d: {  	_ =	sdelay $0x2  }
0x4e: {  	s13 =	sadd.s32 $0x400, s13;
	s15 =	sadd.s32 s15, s11  }
.Ltmp5:
0x4f: {  	(pc) =	sbr.rel .LBB2_7-.Ltmp5, $2  }
0x50: {  	_ =	sdelay $0x2  }
0x51: {  	[hbm:s15] =	stream.linear.scatter [tilespmem:s12], [sflag:$0x3], $0x400, $0x38;
	[tilespmem:$0x10200] =	vst v63  }
.LBB2_8:
0x52: {  	_ =	sfence.sel $0x180000  }
0x53: {  	s2 =	simm.s32 $0x2;
	[bflag:$0x0] =	sbarrier.arrive $0xFFFF  }
0x54: {  	s30 =	simm.s32 $0x3;
	[sflag:s2] =	ssyncpa.u1 $0x1  }
0x55: {  	s31 =	simm.s32 $0x1;
	[sflag:s30] =	ssyncpa.u1 $0x1  }
0x56: {  	[sflag:s31] =	ssyncpa.u1 $0x1  }
0x57: {  	p0 =	sne.s32 s1, $0x0;
	_ =	strace $0x90000047  }
0x58: {  	s0 =	sadd.s32 @!p0 $0x100000, s0;
	[bflag:$0x2] =	sbarrier.arrive $0xFFFF  }
0x59: {  	[sflag:s0] =	ssyncadd.tile.s32 @!p0 $0x1;
	_ =	shalt  }
.Lfunc_end2:
_tile_overlayer_lowered:
.L_overlay_start_2:
0x5a: {  	(tag) =	ssettag $0x2  }
0x5b: {  	s0 =	rddreg [dreg:$0x0];
	s2 =	stileid.u32  }
0x5c: {  	s1 =	rddreg [dreg:$0x1];
	p0 =	sne.s32 s2, $0x0  }
0x5d: {  	s3 =	rddreg [dreg:$0x2];
	[bflag:$0x3] =	sbarrier.arrive $0xFFFF;
	s2 =	simm.s32 @!p0 $0x1C01  }
0x5e: {  	[timem:s3], [sflag:s2] =	dma.local @!p0 [hbm:s0], s1  }
0x5f: {  	s0 =	simm.s32 @!p0 $0x1  }
0x60: {  	_ =	swait.ge @!p0 [sflag:s0], s1  }
0x61: {  	s1 =	ssub.s32 @!p0 $0x0, s1;
	[sflag:s0] =	ssyncset.done @!p0 $0x0  }
0x62: {  	[sflag:s0] =	ssyncadd.s32 @!p0 s1  }
0x63: {  	[bflag:$0x3] =	sbarrier.arrive $0xFFFF  }
0x64: {  	_ =	shalt  }

</sc_bundles>
